<compile_context>
chip_gen: v7x
topology: tpu7x:2x2x1
jax: 0.10.2.dev20260603
libtpu: 0.0.44.dev20260713+nightly
codegen_flags: <defaults>
</compile_context>

<pallas_src>
import functools

import jax
import jax.numpy as jnp
from jax import lax
from jax.experimental import pallas as pl
from jax.experimental.pallas import tpu as pltpu
from jax.experimental.pallas import tpu_sc as plsc

N = 10000
E = 320000
D = 128

NC = 2
NS = 16
NW = NC * NS
CHUNK = 128
EROWS = -(-E // (CHUNK * NW * 8)) * NW * 8
E_PAD = EROWS * CHUNK
CPW = EROWS // NW
RPT = 640
N_PAD = NS * RPT
ZR = 128


def _agg_body(x_hbm, src_hbm, dst_hbm, out_hbm,
              src_v, dst_v, rows_v, acc, gsem):
    c = lax.axis_index("c")
    s = lax.axis_index("s")
    wid = c * NS + s

    def zrow(i, carry):
        for k in range(D // 16):
            rows_v[i, pl.ds(k * 16, 16)] = jnp.zeros((16,), jnp.float32)
        return carry

    lax.fori_loop(0, ZR, zrow, 0)
    for r in range(RPT // ZR):
        pltpu.sync_copy(rows_v, acc.at[pl.ds(s * RPT + r * ZR, ZR)])
    plsc.subcore_barrier()

    erow = wid * CPW
    pltpu.sync_copy(src_hbm.at[pl.ds(erow, CPW), :], src_v)
    pltpu.sync_copy(dst_hbm.at[pl.ds(erow, CPW), :], dst_v)

    def body(j, carry):
        pltpu.async_copy(x_hbm.at[src_v.at[j]], rows_v, gsem).wait()
        pltpu.sync_copy(rows_v, acc.at[dst_v.at[j]], add=True)
        return carry

    lax.fori_loop(0, CPW, body, 0)
    plsc.subcore_barrier()

    pltpu.sync_copy(acc.at[pl.ds(s * RPT, RPT)],
                    out_hbm.at[c, pl.ds(s * RPT, RPT), :])


_agg = functools.partial(
    pl.kernel,
    mesh=plsc.VectorSubcoreMesh(core_axis_name="c", subcore_axis_name="s"),
    out_type=jax.ShapeDtypeStruct((NC, N_PAD, D), jnp.float32),
    scratch_types=[
        pltpu.VMEM((CPW, CHUNK), jnp.int32),
        pltpu.VMEM((CPW, CHUNK), jnp.int32),
        pltpu.VMEM((CHUNK, D), jnp.float32),
        pltpu.VMEM_SHARED((N_PAD, D), jnp.float32),
        pltpu.SemaphoreType.DMA,
    ],
)(_agg_body)


def _mlp_body(eps_ref, x_ref, p_ref, w1_ref, b1_ref, g1_ref, be1_ref,
              w2_ref, b2_ref, g2_ref, be2_ref, o_ref):
    xv = x_ref[...]
    agg = p_ref[0, :N, :] + p_ref[1, :N, :]
    a = (1.0 + eps_ref[0]) * xv + agg
    z = jnp.dot(a, w1_ref[...], preferred_element_type=jnp.float32)
    z = z + b1_ref[...]
    m = jnp.mean(z, axis=0, keepdims=True)
    v = jnp.mean((z - m) ** 2, axis=0, keepdims=True)
    z = (z - m) / jnp.sqrt(v + 1e-5) * g1_ref[...] + be1_ref[...]
    z = jnp.maximum(z, 0.0)
    h = jnp.dot(z, w2_ref[...], preferred_element_type=jnp.float32)
    h = h + b2_ref[...]
    m2 = jnp.mean(h, axis=0, keepdims=True)
    v2 = jnp.mean((h - m2) ** 2, axis=0, keepdims=True)
    h = (h - m2) / jnp.sqrt(v2 + 1e-5) * g2_ref[...] + be2_ref[...]
    o_ref[...] = xv + jnp.maximum(h, 0.0)


_mlp = pl.pallas_call(
    _mlp_body,
    out_shape=jax.ShapeDtypeStruct((N, D), jnp.float32),
    in_specs=[pl.BlockSpec(memory_space=pltpu.SMEM)]
    + [pl.BlockSpec(memory_space=pltpu.VMEM)] * 10,
    out_specs=pl.BlockSpec(memory_space=pltpu.VMEM),
)


def kernel(x, edge_index, gin_eps, W1, b1, g1, be1, W2, b2, g2, be2):
    src = edge_index[0].astype(jnp.int32)
    dst = edge_index[1].astype(jnp.int32)
    pad = E_PAD - E
    src = jnp.concatenate([src, jnp.zeros((pad,), jnp.int32)])
    dst = jnp.concatenate([dst, jnp.full((pad,), N, jnp.int32)])
    partials = _agg(x, src.reshape(EROWS, CHUNK), dst.reshape(EROWS, CHUNK))
    return _mlp(gin_eps.reshape(1), x, partials,
                W1, b1.reshape(1, D), g1.reshape(1, D), be1.reshape(1, D),
                W2, b2.reshape(1, D), g2.reshape(1, D), be2.reshape(1, D))

# --- scband reference (transcript-rebuilt; emitter-appended) ---
"""Pipeline reference for scband-ginlayer-51788715655656 (READ-ONLY COPY).

The authoritative reference and input builder live on the scoring server;
editing this copy changes nothing except your own understanding.
"""

import jax, jax.numpy as jnp
import numpy as np

N = 10000
E = 320000
D = 128

def _batchnorm(z, gamma, beta, eps=1e-5):
    m = jnp.mean(z, axis=0)
    v = jnp.mean((z - m) ** 2, axis=0)
    return (z - m) / jnp.sqrt(v + eps) * gamma + beta

def setup_inputs(seed: int = 0) -> dict:
    key = jax.random.key(seed)
    ks = jax.random.split(key, 8)
    x = jax.random.normal(ks[0], (N, D), dtype=jnp.float32)
    edge_index = jax.random.randint(ks[1], (2, E), 0, N, dtype=jnp.int64)
    s1 = 1.0 / np.sqrt(D)
    W1 = jax.random.uniform(ks[2], (D, D), dtype=jnp.float32, minval=-s1, maxval=s1)
    b1 = jax.random.uniform(ks[3], (D,), dtype=jnp.float32, minval=-s1, maxval=s1)
    W2 = jax.random.uniform(ks[4], (D, D), dtype=jnp.float32, minval=-s1, maxval=s1)
    b2 = jax.random.uniform(ks[5], (D,), dtype=jnp.float32, minval=-s1, maxval=s1)
    return {
        "x": x,
        "edge_index": edge_index,
        "gin_eps": jnp.zeros((), dtype=jnp.float32),
        "W1": W1, "b1": b1,
        "g1": jnp.ones((D,), dtype=jnp.float32), "be1": jnp.zeros((D,), dtype=jnp.float32),
        "W2": W2, "b2": b2,
        "g2": jnp.ones((D,), dtype=jnp.float32), "be2": jnp.zeros((D,), dtype=jnp.float32),
    }

def reference(x, edge_index, gin_eps, W1, b1, g1, be1, W2, b2, g2, be2):
    src = edge_index[0]
    dst = edge_index[1]
    # GINConv aggregation: sum of neighbor (source) features at target nodes
    msgs = jnp.take(x, src, axis=0)
    agg = jax.ops.segment_sum(msgs, dst, num_segments=N)
    z = (1.0 + gin_eps) * x + agg
    # MLP (torch_geometric.nn.MLP, num_layers=2, batch_norm, relu, plain last)
    z = z @ W1 + b1
    z = _batchnorm(z, g1, be1)
    z = jax.nn.relu(z)
    h = z @ W2 + b2
    # outer BatchNorm1d + relu + residual
    h = _batchnorm(h, g2, be2)
    h = jax.nn.relu(h)
    h = x + h
    return h

if __name__ == "__main__":
    import jax
    _d = setup_inputs()
    print(jax.jit(kernel)(*tuple(_d.values())))

</pallas_src>

<mosaic_0001>
#map = affine_map<(d0, d1) -> (0, 0)>
#map1 = affine_map<(d0, d1) -> (0, 0, 0)>
module attributes {stable_mosaic.version = 14 : i64} {
  func.func @_agg_body(%arg0: i32, %arg1: i32, %arg2: memref<10000x128xf32, #tpu.memory_space<hbm>>, %arg3: memref<2560x128xi32, #tpu.memory_space<hbm>>, %arg4: memref<2560x128xi32, #tpu.memory_space<hbm>>, %arg5: memref<2x10240x128xf32, #tpu.memory_space<hbm>>, %arg6: memref<80x128xi32, #tpu.memory_space<vmem>>, %arg7: memref<80x128xi32, #tpu.memory_space<vmem>>, %arg8: memref<128x128xf32, #tpu.memory_space<vmem>>, %arg9: memref<10240x128xf32, #tpu.memory_space<vmem_shared>>, %arg10: memref<!tpu.dma_semaphore, #tpu.memory_space<semaphore_mem>>) attributes {dimension_semantics = [#tpu.dimension_semantics<core_parallel>, #tpu.dimension_semantics<subcore_parallel>], iteration_bounds = array<i64: 2, 16>, scalar_prefetch = 0 : i64, scratch_operands = 5 : i64, tpu.core_type = #tpu.core_type<sc_vector_subcore>, window_params = [{transform_indices = #map}, {transform_indices = #map}, {transform_indices = #map}, {transform_indices = #map1}]} {
    %mul3A = arith.constant 16 : i32
    %mul3A_0 = arith.muli %arg0, %mul3A : i32
    %add3A = arith.addi %mul3A_0, %arg1 : i32
    %scan3A = arith.constant 0 : i32
    %scan3A_1 = arith.constant 0 : i32
    %scan3A_2 = arith.constant 128 : i32
    %scan3A_3 = arith.addi %scan3A_1, %scan3A_2 : i32
    %scan3A_4 = arith.constant 1 : i32
    scf.for %scan3A_39 = %scan3A_1 to %scan3A_3 step %scan3A_4  : i32 {
      %broadcast_in_dim3A = arith.constant 0.000000e+00 : f32
      %broadcast_in_dim3A_40 = vector.broadcast %broadcast_in_dim3A : f32 to vector<16xf32>
      %swap3A = arith.index_cast %scan3A_39 : i32 to index
      %swap3A_41 = arith.constant 0 : index
      %swap3A_42 = tpu.vector_load %arg8[%swap3A, %swap3A_41] {strides = array<i32>} : memref<128x128xf32, #tpu.memory_space<vmem>>, vector<1x16xf32>,
      %swap3A_43 = vector.shape_cast %swap3A_42 : vector<1x16xf32> to vector<16xf32>
      %swap3A_44 = vector.shape_cast %broadcast_in_dim3A_40 : vector<16xf32> to vector<1x16xf32>
      tpu.vector_store %arg8[%swap3A, %swap3A_41], %swap3A_44 {strides = array<i32>} : memref<128x128xf32, #tpu.memory_space<vmem>>, vector<1x16xf32>,
      %broadcast_in_dim3A_45 = arith.constant 0.000000e+00 : f32
      %broadcast_in_dim3A_46 = vector.broadcast %broadcast_in_dim3A_45 : f32 to vector<16xf32>
      %swap3A_47 = arith.index_cast %scan3A_39 : i32 to index
      %swap3A_48 = arith.constant 16 : index
      %swap3A_49 = tpu.vector_load %arg8[%swap3A_47, %swap3A_48] {strides = array<i32>} : memref<128x128xf32, #tpu.memory_space<vmem>>, vector<1x16xf32>,
      %swap3A_50 = vector.shape_cast %swap3A_49 : vector<1x16xf32> to vector<16xf32>
      %swap3A_51 = vector.shape_cast %broadcast_in_dim3A_46 : vector<16xf32> to vector<1x16xf32>
      tpu.vector_store %arg8[%swap3A_47, %swap3A_48], %swap3A_51 {strides = array<i32>} : memref<128x128xf32, #tpu.memory_space<vmem>>, vector<1x16xf32>,
      %broadcast_in_dim3A_52 = arith.constant 0.000000e+00 : f32
      %broadcast_in_dim3A_53 = vector.broadcast %broadcast_in_dim3A_52 : f32 to vector<16xf32>
      %swap3A_54 = arith.index_cast %scan3A_39 : i32 to index
      %swap3A_55 = arith.constant 32 : index
      %swap3A_56 = tpu.vector_load %arg8[%swap3A_54, %swap3A_55] {strides = array<i32>} : memref<128x128xf32, #tpu.memory_space<vmem>>, vector<1x16xf32>,
      %swap3A_57 = vector.shape_cast %swap3A_56 : vector<1x16xf32> to vector<16xf32>
      %swap3A_58 = vector.shape_cast %broadcast_in_dim3A_53 : vector<16xf32> to vector<1x16xf32>
      tpu.vector_store %arg8[%swap3A_54, %swap3A_55], %swap3A_58 {strides = array<i32>} : memref<128x128xf32, #tpu.memory_space<vmem>>, vector<1x16xf32>,
      %broadcast_in_dim3A_59 = arith.constant 0.000000e+00 : f32
      %broadcast_in_dim3A_60 = vector.broadcast %broadcast_in_dim3A_59 : f32 to vector<16xf32>
      %swap3A_61 = arith.index_cast %scan3A_39 : i32 to index
      %swap3A_62 = arith.constant 48 : index
      %swap3A_63 = tpu.vector_load %arg8[%swap3A_61, %swap3A_62] {strides = array<i32>} : memref<128x128xf32, #tpu.memory_space<vmem>>, vector<1x16xf32>,
      %swap3A_64 = vector.shape_cast %swap3A_63 : vector<1x16xf32> to vector<16xf32>
      %swap3A_65 = vector.shape_cast %broadcast_in_dim3A_60 : vector<16xf32> to vector<1x16xf32>
      tpu.vector_store %arg8[%swap3A_61, %swap3A_62], %swap3A_65 {strides = array<i32>} : memref<128x128xf32, #tpu.memory_space<vmem>>, vector<1x16xf32>,
      %broadcast_in_dim3A_66 = arith.constant 0.000000e+00 : f32
      %broadcast_in_dim3A_67 = vector.broadcast %broadcast_in_dim3A_66 : f32 to vector<16xf32>
      %swap3A_68 = arith.index_cast %scan3A_39 : i32 to index
      %swap3A_69 = arith.constant 64 : index
      %swap3A_70 = tpu.vector_load %arg8[%swap3A_68, %swap3A_69] {strides = array<i32>} : memref<128x128xf32, #tpu.memory_space<vmem>>, vector<1x16xf32>,
      %swap3A_71 = vector.shape_cast %swap3A_70 : vector<1x16xf32> to vector<16xf32>
      %swap3A_72 = vector.shape_cast %broadcast_in_dim3A_67 : vector<16xf32> to vector<1x16xf32>
      tpu.vector_store %arg8[%swap3A_68, %swap3A_69], %swap3A_72 {strides = array<i32>} : memref<128x128xf32, #tpu.memory_space<vmem>>, vector<1x16xf32>,
      %broadcast_in_dim3A_73 = arith.constant 0.000000e+00 : f32
      %broadcast_in_dim3A_74 = vector.broadcast %broadcast_in_dim3A_73 : f32 to vector<16xf32>
      %swap3A_75 = arith.index_cast %scan3A_39 : i32 to index
      %swap3A_76 = arith.constant 80 : index
      %swap3A_77 = tpu.vector_load %arg8[%swap3A_75, %swap3A_76] {strides = array<i32>} : memref<128x128xf32, #tpu.memory_space<vmem>>, vector<1x16xf32>,
      %swap3A_78 = vector.shape_cast %swap3A_77 : vector<1x16xf32> to vector<16xf32>
      %swap3A_79 = vector.shape_cast %broadcast_in_dim3A_74 : vector<16xf32> to vector<1x16xf32>
      tpu.vector_store %arg8[%swap3A_75, %swap3A_76], %swap3A_79 {strides = array<i32>} : memref<128x128xf32, #tpu.memory_space<vmem>>, vector<1x16xf32>,
      %broadcast_in_dim3A_80 = arith.constant 0.000000e+00 : f32
      %broadcast_in_dim3A_81 = vector.broadcast %broadcast_in_dim3A_80 : f32 to vector<16xf32>
      %swap3A_82 = arith.index_cast %scan3A_39 : i32 to index
      %swap3A_83 = arith.constant 96 : index
      %swap3A_84 = tpu.vector_load %arg8[%swap3A_82, %swap3A_83] {strides = array<i32>} : memref<128x128xf32, #tpu.memory_space<vmem>>, vector<1x16xf32>,
      %swap3A_85 = vector.shape_cast %swap3A_84 : vector<1x16xf32> to vector<16xf32>
      %swap3A_86 = vector.shape_cast %broadcast_in_dim3A_81 : vector<16xf32> to vector<1x16xf32>
      tpu.vector_store %arg8[%swap3A_82, %swap3A_83], %swap3A_86 {strides = array<i32>} : memref<128x128xf32, #tpu.memory_space<vmem>>, vector<1x16xf32>,
      %broadcast_in_dim3A_87 = arith.constant 0.000000e+00 : f32
      %broadcast_in_dim3A_88 = vector.broadcast %broadcast_in_dim3A_87 : f32 to vector<16xf32>
      %swap3A_89 = arith.index_cast %scan3A_39 : i32 to index
      %swap3A_90 = arith.constant 112 : index
      %swap3A_91 = tpu.vector_load %arg8[%swap3A_89, %swap3A_90] {strides = array<i32>} : memref<128x128xf32, #tpu.memory_space<vmem>>, vector<1x16xf32>,
      %swap3A_92 = vector.shape_cast %swap3A_91 : vector<1x16xf32> to vector<16xf32>
      %swap3A_93 = vector.shape_cast %broadcast_in_dim3A_88 : vector<16xf32> to vector<1x16xf32>
      tpu.vector_store %arg8[%swap3A_89, %swap3A_90], %swap3A_93 {strides = array<i32>} : memref<128x128xf32, #tpu.memory_space<vmem>>, vector<1x16xf32>,
    }
    %scan3A_5 = arith.constant 128 : i32
    %mul3A_6 = arith.constant 640 : i32
    %mul3A_7 = arith.muli %arg1, %mul3A_6 : i32
    %add3A_8 = arith.constant 0 : i32
    %add3A_9 = arith.addi %mul3A_7, %add3A_8 : i32
    "tpu.region"() ({
      %run_scoped3A = tpu.sem_alloc : memref<!tpu.dma_semaphore, #tpu.memory_space<semaphore_mem>>
      %dma_start3A = arith.constant 0 : i32
      %dma_start3A_39 = tpu.memref_slice %arg9[%add3A_9, %dma_start3A] : memref<10240x128xf32, #tpu.memory_space<vmem_shared>> -> memref<128x128xf32, #tpu.memory_space<vmem_shared>>
      %dma_start3A_40 = arith.constant 0 : i32
      %dma_start3A_41 = tpu.memref_slice %arg9[%add3A_9, %dma_start3A_40] : memref<10240x128xf32, #tpu.memory_space<vmem_shared>> -> memref<128x128xf32, #tpu.memory_space<vmem_shared>>
      tpu.enqueue_dma source(%arg8 : memref<128x128xf32, #tpu.memory_space<vmem>>) target(%dma_start3A_41 : memref<128x128xf32, #tpu.memory_space<vmem_shared>>) target_semaphore(%run_scoped3A : memref<!tpu.dma_semaphore, #tpu.memory_space<semaphore_mem>>)
      %dma_wait3A = arith.constant 0 : i32
      %dma_wait3A_42 = tpu.memref_slice %arg9[%add3A_9, %dma_wait3A] : memref<10240x128xf32, #tpu.memory_space<vmem_shared>> -> memref<128x128xf32, #tpu.memory_space<vmem_shared>>
      %dma_wait3A_43 = arith.constant 0 : i32
      %dma_wait3A_44 = tpu.memref_slice %arg9[%add3A_9, %dma_wait3A_43] : memref<10240x128xf32, #tpu.memory_space<vmem_shared>> -> memref<128x128xf32, #tpu.memory_space<vmem_shared>>
      tpu.wait_dma2 semaphore(%run_scoped3A : memref<!tpu.dma_semaphore, #tpu.memory_space<semaphore_mem>>) src(%arg8 : memref<128x128xf32, #tpu.memory_space<vmem>>) dst(%dma_wait3A_44 : memref<128x128xf32, #tpu.memory_space<vmem_shared>>)
      tpu.yield
    }) : () -> ()
    %mul3A_10 = arith.constant 640 : i32
    %mul3A_11 = arith.muli %arg1, %mul3A_10 : i32
    %add3A_12 = arith.constant 128 : i32
    %add3A_13 = arith.addi %mul3A_11, %add3A_12 : i32
    "tpu.region"() ({
      %run_scoped3A = tpu.sem_alloc : memref<!tpu.dma_semaphore, #tpu.memory_space<semaphore_mem>>
      %dma_start3A = arith.constant 0 : i32
      %dma_start3A_39 = tpu.memref_slice %arg9[%add3A_13, %dma_start3A] : memref<10240x128xf32, #tpu.memory_space<vmem_shared>> -> memref<128x128xf32, #tpu.memory_space<vmem_shared>>
      %dma_start3A_40 = arith.constant 0 : i32
      %dma_start3A_41 = tpu.memref_slice %arg9[%add3A_13, %dma_start3A_40] : memref<10240x128xf32, #tpu.memory_space<vmem_shared>> -> memref<128x128xf32, #tpu.memory_space<vmem_shared>>
      tpu.enqueue_dma source(%arg8 : memref<128x128xf32, #tpu.memory_space<vmem>>) target(%dma_start3A_41 : memref<128x128xf32, #tpu.memory_space<vmem_shared>>) target_semaphore(%run_scoped3A : memref<!tpu.dma_semaphore, #tpu.memory_space<semaphore_mem>>)
      %dma_wait3A = arith.constant 0 : i32
      %dma_wait3A_42 = tpu.memref_slice %arg9[%add3A_13, %dma_wait3A] : memref<10240x128xf32, #tpu.memory_space<vmem_shared>> -> memref<128x128xf32, #tpu.memory_space<vmem_shared>>
      %dma_wait3A_43 = arith.constant 0 : i32
      %dma_wait3A_44 = tpu.memref_slice %arg9[%add3A_13, %dma_wait3A_43] : memref<10240x128xf32, #tpu.memory_space<vmem_shared>> -> memref<128x128xf32, #tpu.memory_space<vmem_shared>>
      tpu.wait_dma2 semaphore(%run_scoped3A : memref<!tpu.dma_semaphore, #tpu.memory_space<semaphore_mem>>) src(%arg8 : memref<128x128xf32, #tpu.memory_space<vmem>>) dst(%dma_wait3A_44 : memref<128x128xf32, #tpu.memory_space<vmem_shared>>)
      tpu.yield
    }) : () -> ()
    %mul3A_14 = arith.constant 640 : i32
    %mul3A_15 = arith.muli %arg1, %mul3A_14 : i32
    %add3A_16 = arith.constant 256 : i32
    %add3A_17 = arith.addi %mul3A_15, %add3A_16 : i32
    "tpu.region"() ({
      %run_scoped3A = tpu.sem_alloc : memref<!tpu.dma_semaphore, #tpu.memory_space<semaphore_mem>>
      %dma_start3A = arith.constant 0 : i32
      %dma_start3A_39 = tpu.memref_slice %arg9[%add3A_17, %dma_start3A] : memref<10240x128xf32, #tpu.memory_space<vmem_shared>> -> memref<128x128xf32, #tpu.memory_space<vmem_shared>>
      %dma_start3A_40 = arith.constant 0 : i32
      %dma_start3A_41 = tpu.memref_slice %arg9[%add3A_17, %dma_start3A_40] : memref<10240x128xf32, #tpu.memory_space<vmem_shared>> -> memref<128x128xf32, #tpu.memory_space<vmem_shared>>
      tpu.enqueue_dma source(%arg8 : memref<128x128xf32, #tpu.memory_space<vmem>>) target(%dma_start3A_41 : memref<128x128xf32, #tpu.memory_space<vmem_shared>>) target_semaphore(%run_scoped3A : memref<!tpu.dma_semaphore, #tpu.memory_space<semaphore_mem>>)
      %dma_wait3A = arith.constant 0 : i32
      %dma_wait3A_42 = tpu.memref_slice %arg9[%add3A_17, %dma_wait3A] : memref<10240x128xf32, #tpu.memory_space<vmem_shared>> -> memref<128x128xf32, #tpu.memory_space<vmem_shared>>
      %dma_wait3A_43 = arith.constant 0 : i32
      %dma_wait3A_44 = tpu.memref_slice %arg9[%add3A_17, %dma_wait3A_43] : memref<10240x128xf32, #tpu.memory_space<vmem_shared>> -> memref<128x128xf32, #tpu.memory_space<vmem_shared>>
      tpu.wait_dma2 semaphore(%run_scoped3A : memref<!tpu.dma_semaphore, #tpu.memory_space<semaphore_mem>>) src(%arg8 : memref<128x128xf32, #tpu.memory_space<vmem>>) dst(%dma_wait3A_44 : memref<128x128xf32, #tpu.memory_space<vmem_shared>>)
      tpu.yield
    }) : () -> ()
    %mul3A_18 = arith.constant 640 : i32
    %mul3A_19 = arith.muli %arg1, %mul3A_18 : i32
    %add3A_20 = arith.constant 384 : i32
    %add3A_21 = arith.addi %mul3A_19, %add3A_20 : i32
    "tpu.region"() ({
      %run_scoped3A = tpu.sem_alloc : memref<!tpu.dma_semaphore, #tpu.memory_space<semaphore_mem>>
      %dma_start3A = arith.constant 0 : i32
      %dma_start3A_39 = tpu.memref_slice %arg9[%add3A_21, %dma_start3A] : memref<10240x128xf32, #tpu.memory_space<vmem_shared>> -> memref<128x128xf32, #tpu.memory_space<vmem_shared>>
      %dma_start3A_40 = arith.constant 0 : i32
      %dma_start3A_41 = tpu.memref_slice %arg9[%add3A_21, %dma_start3A_40] : memref<10240x128xf32, #tpu.memory_space<vmem_shared>> -> memref<128x128xf32, #tpu.memory_space<vmem_shared>>
      tpu.enqueue_dma source(%arg8 : memref<128x128xf32, #tpu.memory_space<vmem>>) target(%dma_start3A_41 : memref<128x128xf32, #tpu.memory_space<vmem_shared>>) target_semaphore(%run_scoped3A : memref<!tpu.dma_semaphore, #tpu.memory_space<semaphore_mem>>)
      %dma_wait3A = arith.constant 0 : i32
      %dma_wait3A_42 = tpu.memref_slice %arg9[%add3A_21, %dma_wait3A] : memref<10240x128xf32, #tpu.memory_space<vmem_shared>> -> memref<128x128xf32, #tpu.memory_space<vmem_shared>>
      %dma_wait3A_43 = arith.constant 0 : i32
      %dma_wait3A_44 = tpu.memref_slice %arg9[%add3A_21, %dma_wait3A_43] : memref<10240x128xf32, #tpu.memory_space<vmem_shared>> -> memref<128x128xf32, #tpu.memory_space<vmem_shared>>
      tpu.wait_dma2 semaphore(%run_scoped3A : memref<!tpu.dma_semaphore, #tpu.memory_space<semaphore_mem>>) src(%arg8 : memref<128x128xf32, #tpu.memory_space<vmem>>) dst(%dma_wait3A_44 : memref<128x128xf32, #tpu.memory_space<vmem_shared>>)
      tpu.yield
    }) : () -> ()
    %mul3A_22 = arith.constant 640 : i32
    %mul3A_23 = arith.muli %arg1, %mul3A_22 : i32
    %add3A_24 = arith.constant 512 : i32
    %add3A_25 = arith.addi %mul3A_23, %add3A_24 : i32
    "tpu.region"() ({
      %run_scoped3A = tpu.sem_alloc : memref<!tpu.dma_semaphore, #tpu.memory_space<semaphore_mem>>
      %dma_start3A = arith.constant 0 : i32
      %dma_start3A_39 = tpu.memref_slice %arg9[%add3A_25, %dma_start3A] : memref<10240x128xf32, #tpu.memory_space<vmem_shared>> -> memref<128x128xf32, #tpu.memory_space<vmem_shared>>
      %dma_start3A_40 = arith.constant 0 : i32
      %dma_start3A_41 = tpu.memref_slice %arg9[%add3A_25, %dma_start3A_40] : memref<10240x128xf32, #tpu.memory_space<vmem_shared>> -> memref<128x128xf32, #tpu.memory_space<vmem_shared>>
      tpu.enqueue_dma source(%arg8 : memref<128x128xf32, #tpu.memory_space<vmem>>) target(%dma_start3A_41 : memref<128x128xf32, #tpu.memory_space<vmem_shared>>) target_semaphore(%run_scoped3A : memref<!tpu.dma_semaphore, #tpu.memory_space<semaphore_mem>>)
      %dma_wait3A = arith.constant 0 : i32
      %dma_wait3A_42 = tpu.memref_slice %arg9[%add3A_25, %dma_wait3A] : memref<10240x128xf32, #tpu.memory_space<vmem_shared>> -> memref<128x128xf32, #tpu.memory_space<vmem_shared>>
      %dma_wait3A_43 = arith.constant 0 : i32
      %dma_wait3A_44 = tpu.memref_slice %arg9[%add3A_25, %dma_wait3A_43] : memref<10240x128xf32, #tpu.memory_space<vmem_shared>> -> memref<128x128xf32, #tpu.memory_space<vmem_shared>>
      tpu.wait_dma2 semaphore(%run_scoped3A : memref<!tpu.dma_semaphore, #tpu.memory_space<semaphore_mem>>) src(%arg8 : memref<128x128xf32, #tpu.memory_space<vmem>>) dst(%dma_wait3A_44 : memref<128x128xf32, #tpu.memory_space<vmem_shared>>)
      tpu.yield
    }) : () -> ()
    %barrier3A = arith.constant 0 : index
    tpu.barrier barrier_id(%barrier3A)
    %mul3A_26 = arith.constant 80 : i32
    %mul3A_27 = arith.muli %add3A, %mul3A_26 : i32
    "tpu.region"() ({
      %run_scoped3A = tpu.sem_alloc : memref<!tpu.dma_semaphore, #tpu.memory_space<semaphore_mem>>
      %dma_start3A = arith.constant 0 : i32
      %dma_start3A_39 = tpu.memref_slice %arg3[%mul3A_27, %dma_start3A] : memref<2560x128xi32, #tpu.memory_space<hbm>> -> memref<80x128xi32, #tpu.memory_space<hbm>>
      %dma_start3A_40 = arith.constant 0 : i32
      %dma_start3A_41 = tpu.memref_slice %arg3[%mul3A_27, %dma_start3A_40] : memref<2560x128xi32, #tpu.memory_space<hbm>> -> memref<80x128xi32, #tpu.memory_space<hbm>>
      tpu.enqueue_dma source(%dma_start3A_41 : memref<80x128xi32, #tpu.memory_space<hbm>>) target(%arg6 : memref<80x128xi32, #tpu.memory_space<vmem>>) target_semaphore(%run_scoped3A : memref<!tpu.dma_semaphore, #tpu.memory_space<semaphore_mem>>)
      %dma_wait3A = arith.constant 0 : i32
      %dma_wait3A_42 = tpu.memref_slice %arg3[%mul3A_27, %dma_wait3A] : memref<2560x128xi32, #tpu.memory_space<hbm>> -> memref<80x128xi32, #tpu.memory_space<hbm>>
      %dma_wait3A_43 = arith.constant 0 : i32
      %dma_wait3A_44 = tpu.memref_slice %arg3[%mul3A_27, %dma_wait3A_43] : memref<2560x128xi32, #tpu.memory_space<hbm>> -> memref<80x128xi32, #tpu.memory_space<hbm>>
      tpu.wait_dma2 semaphore(%run_scoped3A : memref<!tpu.dma_semaphore, #tpu.memory_space<semaphore_mem>>) src(%dma_wait3A_44 : memref<80x128xi32, #tpu.memory_space<hbm>>) dst(%arg6 : memref<80x128xi32, #tpu.memory_space<vmem>>)
      tpu.yield
    }) : () -> ()
    "tpu.region"() ({
      %run_scoped3A = tpu.sem_alloc : memref<!tpu.dma_semaphore, #tpu.memory_space<semaphore_mem>>
      %dma_start3A = arith.constant 0 : i32
      %dma_start3A_39 = tpu.memref_slice %arg4[%mul3A_27, %dma_start3A] : memref<2560x128xi32, #tpu.memory_space<hbm>> -> memref<80x128xi32, #tpu.memory_space<hbm>>
      %dma_start3A_40 = arith.constant 0 : i32
      %dma_start3A_41 = tpu.memref_slice %arg4[%mul3A_27, %dma_start3A_40] : memref<2560x128xi32, #tpu.memory_space<hbm>> -> memref<80x128xi32, #tpu.memory_space<hbm>>
      tpu.enqueue_dma source(%dma_start3A_41 : memref<80x128xi32, #tpu.memory_space<hbm>>) target(%arg7 : memref<80x128xi32, #tpu.memory_space<vmem>>) target_semaphore(%run_scoped3A : memref<!tpu.dma_semaphore, #tpu.memory_space<semaphore_mem>>)
      %dma_wait3A = arith.constant 0 : i32
      %dma_wait3A_42 = tpu.memref_slice %arg4[%mul3A_27, %dma_wait3A] : memref<2560x128xi32, #tpu.memory_space<hbm>> -> memref<80x128xi32, #tpu.memory_space<hbm>>
      %dma_wait3A_43 = arith.constant 0 : i32
      %dma_wait3A_44 = tpu.memref_slice %arg4[%mul3A_27, %dma_wait3A_43] : memref<2560x128xi32, #tpu.memory_space<hbm>> -> memref<80x128xi32, #tpu.memory_space<hbm>>
      tpu.wait_dma2 semaphore(%run_scoped3A : memref<!tpu.dma_semaphore, #tpu.memory_space<semaphore_mem>>) src(%dma_wait3A_44 : memref<80x128xi32, #tpu.memory_space<hbm>>) dst(%arg7 : memref<80x128xi32, #tpu.memory_space<vmem>>)
      tpu.yield
    }) : () -> ()
    %scan3A_28 = arith.constant 0 : i32
    %scan3A_29 = arith.constant 0 : i32
    %scan3A_30 = arith.constant 80 : i32
    %scan3A_31 = arith.addi %scan3A_29, %scan3A_30 : i32
    %scan3A_32 = arith.constant 1 : i32
    scf.for %scan3A_39 = %scan3A_29 to %scan3A_31 step %scan3A_32  : i32 {
      %dma_start3A = arith.constant 0 : i32
      %dma_start3A_40 = tpu.memref_slice %arg6[%scan3A_39, %dma_start3A] : memref<80x128xi32, #tpu.memory_space<vmem>> -> memref<1x128xi32, #tpu.memory_space<vmem>>
      %dma_start3A_41 = tpu.memref_squeeze %dma_start3A_40 : memref<1x128xi32, #tpu.memory_space<vmem>> -> memref<128xi32, #tpu.memory_space<vmem>>
      %dma_start3A_42 = arith.constant 0 : i32
      %dma_start3A_43 = arith.constant 0 : i32
      %dma_start3A_44 = tpu.memref_slice %arg2[%dma_start3A_42, %dma_start3A_43] : memref<10000x128xf32, #tpu.memory_space<hbm>> -> memref<10000x128xf32, #tpu.memory_space<hbm>>
      tpu.enqueue_indirect_dma source(%dma_start3A_44 : memref<10000x128xf32, #tpu.memory_space<hbm>>) target(%arg8 : memref<128x128xf32, #tpu.memory_space<vmem>>) offsets(%dma_start3A_41 : memref<128xi32, #tpu.memory_space<vmem>>) semaphore(%arg10 : memref<!tpu.dma_semaphore, #tpu.memory_space<semaphore_mem>>)
      %dma_wait3A = arith.constant 0 : i32
      %dma_wait3A_45 = tpu.memref_slice %arg6[%scan3A_39, %dma_wait3A] : memref<80x128xi32, #tpu.memory_space<vmem>> -> memref<1x128xi32, #tpu.memory_space<vmem>>
      %dma_wait3A_46 = tpu.memref_squeeze %dma_wait3A_45 : memref<1x128xi32, #tpu.memory_space<vmem>> -> memref<128xi32, #tpu.memory_space<vmem>>
      %dma_wait3A_47 = arith.constant 0 : i32
      %dma_wait3A_48 = arith.constant 0 : i32
      %dma_wait3A_49 = tpu.memref_slice %arg2[%dma_wait3A_47, %dma_wait3A_48] : memref<10000x128xf32, #tpu.memory_space<hbm>> -> memref<10000x128xf32, #tpu.memory_space<hbm>>
      tpu.wait_indirect_dma semaphore(%arg10 : memref<!tpu.dma_semaphore, #tpu.memory_space<semaphore_mem>>) src(%dma_wait3A_49 : memref<10000x128xf32, #tpu.memory_space<hbm>>) dst(%arg8 : memref<128x128xf32, #tpu.memory_space<vmem>>)
      "tpu.region"() ({
        %run_scoped3A = tpu.sem_alloc : memref<!tpu.dma_semaphore, #tpu.memory_space<semaphore_mem>>
        %dma_start3A_50 = arith.constant 0 : i32
        %dma_start3A_51 = tpu.memref_slice %arg7[%scan3A_39, %dma_start3A_50] : memref<80x128xi32, #tpu.memory_space<vmem>> -> memref<1x128xi32, #tpu.memory_space<vmem>>
        %dma_start3A_52 = tpu.memref_squeeze %dma_start3A_51 : memref<1x128xi32, #tpu.memory_space<vmem>> -> memref<128xi32, #tpu.memory_space<vmem>>
        %dma_start3A_53 = arith.constant 0 : i32
        %dma_start3A_54 = arith.constant 0 : i32
        %dma_start3A_55 = tpu.memref_slice %arg9[%dma_start3A_53, %dma_start3A_54] : memref<10240x128xf32, #tpu.memory_space<vmem_shared>> -> memref<10240x128xf32, #tpu.memory_space<vmem_shared>>
        tpu.enqueue_indirect_dma source(%arg8 : memref<128x128xf32, #tpu.memory_space<vmem>>) target(%dma_start3A_55 : memref<10240x128xf32, #tpu.memory_space<vmem_shared>>) offsets(%dma_start3A_52 : memref<128xi32, #tpu.memory_space<vmem>>) semaphore(%run_scoped3A : memref<!tpu.dma_semaphore, #tpu.memory_space<semaphore_mem>>) {add = true}
        %dma_wait3A_56 = arith.constant 0 : i32
        %dma_wait3A_57 = tpu.memref_slice %arg7[%scan3A_39, %dma_wait3A_56] : memref<80x128xi32, #tpu.memory_space<vmem>> -> memref<1x128xi32, #tpu.memory_space<vmem>>
        %dma_wait3A_58 = tpu.memref_squeeze %dma_wait3A_57 : memref<1x128xi32, #tpu.memory_space<vmem>> -> memref<128xi32, #tpu.memory_space<vmem>>
        %dma_wait3A_59 = arith.constant 0 : i32
        %dma_wait3A_60 = arith.constant 0 : i32
        %dma_wait3A_61 = tpu.memref_slice %arg9[%dma_wait3A_59, %dma_wait3A_60] : memref<10240x128xf32, #tpu.memory_space<vmem_shared>> -> memref<10240x128xf32, #tpu.memory_space<vmem_shared>>
        tpu.wait_indirect_dma semaphore(%run_scoped3A : memref<!tpu.dma_semaphore, #tpu.memory_space<semaphore_mem>>) src(%arg8 : memref<128x128xf32, #tpu.memory_space<vmem>>) dst(%dma_wait3A_61 : memref<10240x128xf32, #tpu.memory_space<vmem_shared>>)
        tpu.yield
      }) : () -> ()
    }
    %scan3A_33 = arith.constant 80 : i32
    %barrier3A_34 = arith.constant 0 : index
    tpu.barrier barrier_id(%barrier3A_34)
    %mul3A_35 = arith.constant 640 : i32
    %mul3A_36 = arith.muli %arg1, %mul3A_35 : i32
    %mul3A_37 = arith.constant 640 : i32
    %mul3A_38 = arith.muli %arg1, %mul3A_37 : i32
    "tpu.region"() ({
      %run_scoped3A = tpu.sem_alloc : memref<!tpu.dma_semaphore, #tpu.memory_space<semaphore_mem>>
      %dma_start3A = arith.constant 0 : i32
      %dma_start3A_39 = tpu.memref_slice %arg5[%arg0, %mul3A_38, %dma_start3A] : memref<2x10240x128xf32, #tpu.memory_space<hbm>> -> memref<1x640x128xf32, #tpu.memory_space<hbm>>
      %dma_start3A_40 = tpu.memref_squeeze %dma_start3A_39 : memref<1x640x128xf32, #tpu.memory_space<hbm>> -> memref<640x128xf32, #tpu.memory_space<hbm>>
      %dma_start3A_41 = arith.constant 0 : i32
      %dma_start3A_42 = tpu.memref_slice %arg9[%mul3A_36, %dma_start3A_41] : memref<10240x128xf32, #tpu.memory_space<vmem_shared>> -> memref<640x128xf32, #tpu.memory_space<vmem_shared>>
      tpu.enqueue_dma source(%dma_start3A_42 : memref<640x128xf32, #tpu.memory_space<vmem_shared>>) target(%dma_start3A_40 : memref<640x128xf32, #tpu.memory_space<hbm>>) target_semaphore(%run_scoped3A : memref<!tpu.dma_semaphore, #tpu.memory_space<semaphore_mem>>)
      %dma_wait3A = arith.constant 0 : i32
      %dma_wait3A_43 = tpu.memref_slice %arg5[%arg0, %mul3A_38, %dma_wait3A] : memref<2x10240x128xf32, #tpu.memory_space<hbm>> -> memref<1x640x128xf32, #tpu.memory_space<hbm>>
      %dma_wait3A_44 = tpu.memref_squeeze %dma_wait3A_43 : memref<1x640x128xf32, #tpu.memory_space<hbm>> -> memref<640x128xf32, #tpu.memory_space<hbm>>
      %dma_wait3A_45 = arith.constant 0 : i32
      %dma_wait3A_46 = tpu.memref_slice %arg9[%mul3A_36, %dma_wait3A_45] : memref<10240x128xf32, #tpu.memory_space<vmem_shared>> -> memref<640x128xf32, #tpu.memory_space<vmem_shared>>
      tpu.wait_dma2 semaphore(%run_scoped3A : memref<!tpu.dma_semaphore, #tpu.memory_space<semaphore_mem>>) src(%dma_wait3A_46 : memref<640x128xf32, #tpu.memory_space<vmem_shared>>) dst(%dma_wait3A_44 : memref<640x128xf32, #tpu.memory_space<hbm>>)
      tpu.yield
    }) : () -> ()
    return
  }
}

module attributes {stable_mosaic.version = 14 : i64} {
  func.func @_mlp_body(%arg0: memref<1xf32, #tpu.memory_space<smem>>, %arg1: memref<10000x128xf32, #tpu.memory_space<vmem>>, %arg2: memref<2x10240x128xf32, #tpu.memory_space<vmem>>, %arg3: memref<128x128xf32, #tpu.memory_space<vmem>>, %arg4: memref<1x128xf32, #tpu.memory_space<vmem>>, %arg5: memref<1x128xf32, #tpu.memory_space<vmem>>, %arg6: memref<1x128xf32, #tpu.memory_space<vmem>>, %arg7: memref<128x128xf32, #tpu.memory_space<vmem>>, %arg8: memref<1x128xf32, #tpu.memory_space<vmem>>, %arg9: memref<1x128xf32, #tpu.memory_space<vmem>>, %arg10: memref<1x128xf32, #tpu.memory_space<vmem>>, %arg11: memref<10000x128xf32, #tpu.memory_space<vmem>>) attributes {dimension_semantics = [], scalar_prefetch = 0 : i64, scratch_operands = 0 : i64, tpu.core_type = #tpu.core_type<tc>} {
    %get3A = arith.constant 0 : index
    %get3A_0 = arith.constant 0 : index
    %get3A_1 = vector.load %arg1[%get3A, %get3A_0] : memref<10000x128xf32, #tpu.memory_space<vmem>>, vector<10000x128xf32>
    %get3A_2 = arith.constant 0 : index
    %get3A_3 = arith.constant 0 : index
    %get3A_4 = arith.constant 0 : index
    %get3A_5 = vector.load %arg2[%get3A_2, %get3A_3, %get3A_4] : memref<2x10240x128xf32, #tpu.memory_space<vmem>>, vector<1x10000x128xf32>
    %get3A_6 = vector.shape_cast %get3A_5 : vector<1x10000x128xf32> to vector<10000x128xf32>
    %get3A_7 = arith.constant 1 : index
    %get3A_8 = arith.constant 0 : index
    %get3A_9 = arith.constant 0 : index
    %get3A_10 = vector.load %arg2[%get3A_7, %get3A_8, %get3A_9] : memref<2x10240x128xf32, #tpu.memory_space<vmem>>, vector<1x10000x128xf32>
    %get3A_11 = vector.shape_cast %get3A_10 : vector<1x10000x128xf32> to vector<10000x128xf32>
    %add3A = arith.addf %get3A_6, %get3A_11 : vector<10000x128xf32>
    %get3A_12 = arith.constant 0 : index
    %get3A_13 = memref.load %arg0[%get3A_12] : memref<1xf32, #tpu.memory_space<smem>>
    %add3A_14 = arith.constant 1.000000e+00 : f32
    %add3A_15 = arith.addf %add3A_14, %get3A_13 : f32
    %mul3A = vector.broadcast %add3A_15 : f32 to vector<10000x128xf32>
    %mul3A_16 = arith.mulf %mul3A, %get3A_1 : vector<10000x128xf32>
    %add3A_17 = arith.addf %mul3A_16, %add3A : vector<10000x128xf32>
    %get3A_18 = arith.constant 0 : index
    %get3A_19 = arith.constant 0 : index
    %get3A_20 = vector.load %arg3[%get3A_18, %get3A_19] : memref<128x128xf32, #tpu.memory_space<vmem>>, vector<128x128xf32>
    %dot_general3A = arith.constant dense<0.000000e+00> : vector<10000x128xf32>
    %dot_general3A_21 = tpu.matmul %add3A_17, %get3A_20, %dot_general3A {dimension_numbers = #tpu.dot_dimension_numbers<[1], [0], [0], [1], [0, 0, 1, 1], [], []>, transpose_lhs_hint = false} : vector<10000x128xf32>, vector<128x128xf32>, vector<10000x128xf32> -> vector<10000x128xf32>
    %get3A_22 = arith.constant 0 : index
    %get3A_23 = arith.constant 0 : index
    %get3A_24 = vector.load %arg4[%get3A_22, %get3A_23] : memref<1x128xf32, #tpu.memory_space<vmem>>, vector<1x128xf32>
    %add3A_25 = vector.broadcast %get3A_24 : vector<1x128xf32> to vector<10000x128xf32>
    %add3A_26 = arith.addf %dot_general3A_21, %add3A_25 : vector<10000x128xf32>
    %reduce_sum3A = arith.constant dense<0.000000e+00> : vector<128xf32>
    %reduce_sum3A_27 = vector.multi_reduction <add>, %add3A_26, %reduce_sum3A [0] : vector<10000x128xf32> to vector<128xf32>
    %broadcast_in_dim3A = vector.shape_cast %reduce_sum3A_27 : vector<128xf32> to vector<1x128xf32>
    %div3A = arith.constant 1.000000e+04 : f32
    %div3A_28 = vector.broadcast %div3A : f32 to vector<1x128xf32>
    %div3A_29 = arith.divf %broadcast_in_dim3A, %div3A_28 : vector<1x128xf32>
    %sub3A = vector.broadcast %div3A_29 : vector<1x128xf32> to vector<10000x128xf32>
    %sub3A_30 = arith.subf %add3A_26, %sub3A : vector<10000x128xf32>
    %integer_pow3A = arith.mulf %sub3A_30, %sub3A_30 : vector<10000x128xf32>
    %reduce_sum3A_31 = arith.constant dense<0.000000e+00> : vector<128xf32>
    %reduce_sum3A_32 = vector.multi_reduction <add>, %integer_pow3A, %reduce_sum3A_31 [0] : vector<10000x128xf32> to vector<128xf32>
    %broadcast_in_dim3A_33 = vector.shape_cast %reduce_sum3A_32 : vector<128xf32> to vector<1x128xf32>
    %div3A_34 = arith.constant 1.000000e+04 : f32
    %div3A_35 = vector.broadcast %div3A_34 : f32 to vector<1x128xf32>
    %div3A_36 = arith.divf %broadcast_in_dim3A_33, %div3A_35 : vector<1x128xf32>
    %sub3A_37 = vector.broadcast %div3A_29 : vector<1x128xf32> to vector<10000x128xf32>
    %sub3A_38 = arith.subf %add3A_26, %sub3A_37 : vector<10000x128xf32>
    %add3A_39 = arith.constant 9.99999974E-6 : f32
    %add3A_40 = vector.broadcast %add3A_39 : f32 to vector<1x128xf32>
    %add3A_41 = arith.addf %div3A_36, %add3A_40 : vector<1x128xf32>
    %sqrt3A = math.sqrt %add3A_41 : vector<1x128xf32>
    %div3A_42 = vector.broadcast %sqrt3A : vector<1x128xf32> to vector<10000x128xf32>
    %div3A_43 = arith.divf %sub3A_38, %div3A_42 : vector<10000x128xf32>
    %get3A_44 = arith.constant 0 : index
    %get3A_45 = arith.constant 0 : index
    %get3A_46 = vector.load %arg5[%get3A_44, %get3A_45] : memref<1x128xf32, #tpu.memory_space<vmem>>, vector<1x128xf32>
    %mul3A_47 = vector.broadcast %get3A_46 : vector<1x128xf32> to vector<10000x128xf32>
    %mul3A_48 = arith.mulf %div3A_43, %mul3A_47 : vector<10000x128xf32>
    %get3A_49 = arith.constant 0 : index
    %get3A_50 = arith.constant 0 : index
    %get3A_51 = vector.load %arg6[%get3A_49, %get3A_50] : memref<1x128xf32, #tpu.memory_space<vmem>>, vector<1x128xf32>
    %add3A_52 = vector.broadcast %get3A_51 : vector<1x128xf32> to vector<10000x128xf32>
    %add3A_53 = arith.addf %mul3A_48, %add3A_52 : vector<10000x128xf32>
    %max3A = arith.constant 0.000000e+00 : f32
    %max3A_54 = vector.broadcast %max3A : f32 to vector<10000x128xf32>
    %max3A_55 = arith.maximumf %add3A_53, %max3A_54 : vector<10000x128xf32>
    %get3A_56 = arith.constant 0 : index
    %get3A_57 = arith.constant 0 : index
    %get3A_58 = vector.load %arg7[%get3A_56, %get3A_57] : memref<128x128xf32, #tpu.memory_space<vmem>>, vector<128x128xf32>
    %dot_general3A_59 = arith.constant dense<0.000000e+00> : vector<10000x128xf32>
    %dot_general3A_60 = tpu.matmul %max3A_55, %get3A_58, %dot_general3A_59 {dimension_numbers = #tpu.dot_dimension_numbers<[1], [0], [0], [1], [0, 0, 1, 1], [], []>, transpose_lhs_hint = false} : vector<10000x128xf32>, vector<128x128xf32>, vector<10000x128xf32> -> vector<10000x128xf32>
    %get3A_61 = arith.constant 0 : index
    %get3A_62 = arith.constant 0 : index
    %get3A_63 = vector.load %arg8[%get3A_61, %get3A_62] : memref<1x128xf32, #tpu.memory_space<vmem>>, vector<1x128xf32>
    %add3A_64 = vector.broadcast %get3A_63 : vector<1x128xf32> to vector<10000x128xf32>
    %add3A_65 = arith.addf %dot_general3A_60, %add3A_64 : vector<10000x128xf32>
    %reduce_sum3A_66 = arith.constant dense<0.000000e+00> : vector<128xf32>
    %reduce_sum3A_67 = vector.multi_reduction <add>, %add3A_65, %reduce_sum3A_66 [0] : vector<10000x128xf32> to vector<128xf32>
    %broadcast_in_dim3A_68 = vector.shape_cast %reduce_sum3A_67 : vector<128xf32> to vector<1x128xf32>
    %div3A_69 = arith.constant 1.000000e+04 : f32
    %div3A_70 = vector.broadcast %div3A_69 : f32 to vector<1x128xf32>
    %div3A_71 = arith.divf %broadcast_in_dim3A_68, %div3A_70 : vector<1x128xf32>
    %sub3A_72 = vector.broadcast %div3A_71 : vector<1x128xf32> to vector<10000x128xf32>
    %sub3A_73 = arith.subf %add3A_65, %sub3A_72 : vector<10000x128xf32>
    %integer_pow3A_74 = arith.mulf %sub3A_73, %sub3A_73 : vector<10000x128xf32>
    %reduce_sum3A_75 = arith.constant dense<0.000000e+00> : vector<128xf32>
    %reduce_sum3A_76 = vector.multi_reduction <add>, %integer_pow3A_74, %reduce_sum3A_75 [0] : vector<10000x128xf32> to vector<128xf32>
    %broadcast_in_dim3A_77 = vector.shape_cast %reduce_sum3A_76 : vector<128xf32> to vector<1x128xf32>
    %div3A_78 = arith.constant 1.000000e+04 : f32
    %div3A_79 = vector.broadcast %div3A_78 : f32 to vector<1x128xf32>
    %div3A_80 = arith.divf %broadcast_in_dim3A_77, %div3A_79 : vector<1x128xf32>
    %sub3A_81 = vector.broadcast %div3A_71 : vector<1x128xf32> to vector<10000x128xf32>
    %sub3A_82 = arith.subf %add3A_65, %sub3A_81 : vector<10000x128xf32>
    %add3A_83 = arith.constant 9.99999974E-6 : f32
    %add3A_84 = vector.broadcast %add3A_83 : f32 to vector<1x128xf32>
    %add3A_85 = arith.addf %div3A_80, %add3A_84 : vector<1x128xf32>
    %sqrt3A_86 = math.sqrt %add3A_85 : vector<1x128xf32>
    %div3A_87 = vector.broadcast %sqrt3A_86 : vector<1x128xf32> to vector<10000x128xf32>
    %div3A_88 = arith.divf %sub3A_82, %div3A_87 : vector<10000x128xf32>
    %get3A_89 = arith.constant 0 : index
    %get3A_90 = arith.constant 0 : index
    %get3A_91 = vector.load %arg9[%get3A_89, %get3A_90] : memref<1x128xf32, #tpu.memory_space<vmem>>, vector<1x128xf32>
    %mul3A_92 = vector.broadcast %get3A_91 : vector<1x128xf32> to vector<10000x128xf32>
    %mul3A_93 = arith.mulf %div3A_88, %mul3A_92 : vector<10000x128xf32>
    %get3A_94 = arith.constant 0 : index
    %get3A_95 = arith.constant 0 : index
    %get3A_96 = vector.load %arg10[%get3A_94, %get3A_95] : memref<1x128xf32, #tpu.memory_space<vmem>>, vector<1x128xf32>
    %add3A_97 = vector.broadcast %get3A_96 : vector<1x128xf32> to vector<10000x128xf32>
    %add3A_98 = arith.addf %mul3A_93, %add3A_97 : vector<10000x128xf32>
    %max3A_99 = arith.constant 0.000000e+00 : f32
    %max3A_100 = vector.broadcast %max3A_99 : f32 to vector<10000x128xf32>
    %max3A_101 = arith.maximumf %add3A_98, %max3A_100 : vector<10000x128xf32>
    %add3A_102 = arith.addf %get3A_1, %max3A_101 : vector<10000x128xf32>
    %swap3A = arith.constant 0 : index
    %swap3A_103 = arith.constant 0 : index
    %swap3A_104 = vector.load %arg11[%swap3A, %swap3A_103] : memref<10000x128xf32, #tpu.memory_space<vmem>>, vector<10000x128xf32>
    tpu.vector_store %arg11[%swap3A, %swap3A_103], %add3A_102 {strides = array<i32>} : memref<10000x128xf32, #tpu.memory_space<vmem>>, vector<10000x128xf32>,
    return
  }
}

</mosaic_0001>

<sc_bundles>
// kernel: kernel.4.cloned.1.call-start
scs
__scs_entry_jumppad:
0x0: {  	(pc) =	sbr.rel $0x88, $3  }
0x1: {  	(tag) =	ssettag $0x0;
	lr =	simm.s32 $0x1  }
0x2: {  	[smem:$0x3F96] =	sst lr;
	_ =	strace $0xD0000000  }
0x3: {  	_ = 	snop  }
0x4: {  	_ = 	snop  }
0x5: {  	_ = 	snop  }
0x6: {  	_ = 	snop  }
0x7: {  	_ = 	snop  }
__scs_overlays_trampoline_lowered:
0x8: {  	[smem:$0x3FA5] =	sst s0  }
0x9: {  	[smem:$0x3FA6] =	sst s1  }
0xa: {  	[smem:$0x3FA7] =	sst s2  }
0xb: {  	[smem:$0x3FA8] =	sst s3  }
0xc: {  	[smem:$0x3FA9] =	sst s4  }
0xd: {  	[smem:$0x3FAA] =	sst s5  }
0xe: {  	[smem:$0x3FAB] =	sst s6  }
0xf: {  	[smem:$0x3FAC] =	sst s7  }
0x10: {  	[smem:$0x3FAD] =	sst s8  }
0x11: {  	[smem:$0x3FAE] =	sst s9;
	s0 =	simm.s32 @!p0 $0x0  }
0x12: {  	s1 =	sld [smem:$0x3F94];
	s0 =	simm.s32 @p0 $0x1  }
0x13: {  	[smem:$0x3FAF] =	sst s0;
	s0 =	simm.s32 @!p1 $0x0  }
0x14: {  	s2 =	sld [smem:$0x3F93];
	s0 =	simm.s32 @p1 $0x1  }
0x15: {  	[smem:$0x3FB0] =	sst s0;
	s0 =	simm.s32 @!p2 $0x0  }
0x16: {  	s3 =	sld [smem:$0x3FDB];
	s0 =	simm.s32 @p2 $0x1  }
0x17: {  	s4 =	simm.s32 $0x1BF5;
	[smem:$0x3FB2] =	sst s0  }
0x18: {  	s0 =	sld [smem:$0x3F95];
	_ =	swait.ge [sflag:s4], $0x0  }
0x19: {  	s7 =	sld [smem:$0x3F96]  }
0x1a: {  	s8 =	sadd.s32 $0xFFFFE003, lr  }
0x1b: {  	s9 =	sadd.s32 $0xFFFFFEF7, lr;
	s5 =	simm.s32 $0xFFFFFFFF;
	p2 =	slt.u32 s8, $0xFFFFF086  }
0x1c: {  	p1 =	slt.u32 s9, $0xF7A;
	s5 =	simm.s32 @!p2 $0x0  }
0x1d: {  	s5 =	simm.s32 @p1 $0x1;
	p0 =	seq.s32 s7, s2  }
0x1e: {  	s7 =	smul.u32 @!p0 $0xF7A, s2;
	p2 =	seq.s32 @!p0 s5, $0x0  }
0x1f: {  	s9 =	smul.u32 $0xF7A, s1;
	s8 =	simm.s32 @!p0 $0x1BF5;
	p2 =	por !p2, p0  }
0x20: {  	[sflag:s8] =	ssyncset.s32 @!p0 $0xFFFFF086;
	s6 =	sadd.s32 @!p0 s3, s7;
	s7 =	simm.s32 @!p0 $0x108  }
0x21: {  	s3 =	sadd.s32 s3, s9;
	s6 =	sadd.s32 @!p0 $0x88, s6;
	s7 =	simm.s32 @p2 $0x1082  }
0x22: {  	[simem:s7], [sflag:s8] =	dma.local @!p0 [hbm:s6], $0xF7A  }
0x23: {  	s9 =	sor.u32 $0xD0000000, s2;
	s6 =	simm.s32 $0x108;
	_ =	swait.ge @!p0 [sflag:s8], $0x0  }
0x24: {  	s3 =	sadd.s32 $0x88, s3;
	s6 =	simm.s32 @!p1 $0x1082;
	[sflag:s4] =	ssyncset.s32 $0xFFFFF086  }
0x25: {  	[simem:s6], [sflag:s4] =	dma.local [hbm:s3], $0xF7A  }
0x26: {  	[smem:$0x3F96] =	sst s1;
	(tag) =	ssettag s2;
	_ =	strace s9  }
0x27: {  	s1 =	sld [smem:$0x3FA6]  }
0x28: {  	s2 =	sld [smem:$0x3FA7]  }
0x29: {  	s4 =	sld [smem:$0x3FA9]  }
0x2a: {  	p0 =	seq.s32 s5, $0x0;
	s5 =	sld [smem:$0x3FAA]  }
0x2b: {  	s6 =	sld [smem:$0x3FAB]  }
0x2c: {  	s7 =	sld [smem:$0x3FAC]  }
0x2d: {  	s3 =	simm.s32 $0x108;
	s8 =	sld [smem:$0x3FAD]  }
0x2e: {  	s3 =	simm.s32 @!p0 $0x1082;
	s9 =	sld [smem:$0x3FAE]  }
0x2f: {  	lr =	sadd.s32 s0, s3;
	s0 =	sld [smem:$0x3FA5]  }
0x30: {  	s3 =	sld [smem:$0x3FA8]  }
0x31: {  	[smem:$0x3FB1] =	sst s10  }
0x32: {  	s10 =	sld [smem:$0x3FAF];
	_ =	sdelay $0x3  }
0x33: {  	p0 =	seq.s32 s10, $0x1;
	s10 =	sld [smem:$0x3FB1];
	_ =	sdelay $0x3  }
0x34: {  	[smem:$0x3FB1] =	sst s10  }
0x35: {  	s10 =	sld [smem:$0x3FB0];
	_ =	sdelay $0x3  }
0x36: {  	p1 =	seq.s32 s10, $0x1;
	s10 =	sld [smem:$0x3FB1];
	_ =	sdelay $0x3  }
0x37: {  	[smem:$0x3FB1] =	sst s10  }
0x38: {  	s10 =	sld [smem:$0x3FB2]  }
0x39: {  	_ = 	snop;
	(pc) =	sbr.ind lr, $3  }
0x3a: {  	_ = 	snop  }
0x3b: {  	_ = 	snop  }
0x3c: {  	p2 =	seq.s32 s10, $0x1;
	s10 =	sld [smem:$0x3FB1]  }
0x3d: {  	_ =	shalt  }
0x3e: {  	_ =	shalt  }
0x3f: {  	_ =	shalt  }
0x40: {  	_ =	shalt  }
0x41: {  	_ =	shalt  }
0x42: {  	_ =	shalt  }
0x43: {  	_ =	shalt  }
0x44: {  	_ =	shalt  }
0x45: {  	_ =	shalt  }
0x46: {  	_ =	shalt  }
0x47: {  	_ =	shalt  }
0x48: {  	_ =	shalt  }
0x49: {  	_ =	shalt  }
0x4a: {  	_ =	shalt  }
0x4b: {  	_ =	shalt  }
0x4c: {  	_ =	shalt  }
0x4d: {  	_ =	shalt  }
0x4e: {  	_ =	shalt  }
0x4f: {  	_ =	shalt  }
0x50: {  	_ =	shalt  }
0x51: {  	_ =	shalt  }
0x52: {  	_ =	shalt  }
0x53: {  	_ =	shalt  }
0x54: {  	_ =	shalt  }
0x55: {  	_ =	shalt  }
0x56: {  	_ =	shalt  }
0x57: {  	_ =	shalt  }
0x58: {  	_ =	shalt  }
0x59: {  	_ =	shalt  }
0x5a: {  	_ =	shalt  }
0x5b: {  	_ =	shalt  }
0x5c: {  	_ =	shalt  }
0x5d: {  	_ =	shalt  }
0x5e: {  	_ =	shalt  }
0x5f: {  	_ =	shalt  }
0x60: {  	_ =	shalt  }
0x61: {  	_ =	shalt  }
0x62: {  	_ =	shalt  }
0x63: {  	_ =	shalt  }
0x64: {  	_ =	shalt  }
0x65: {  	_ =	shalt  }
0x66: {  	_ =	shalt  }
0x67: {  	_ =	shalt  }
0x68: {  	_ =	shalt  }
0x69: {  	_ =	shalt  }
0x6a: {  	_ =	shalt  }
0x6b: {  	_ =	shalt  }
0x6c: {  	_ =	shalt  }
0x6d: {  	_ =	shalt  }
0x6e: {  	_ =	shalt  }
0x6f: {  	_ =	shalt  }
0x70: {  	_ =	shalt  }
0x71: {  	_ =	shalt  }
0x72: {  	_ =	shalt  }
0x73: {  	_ =	shalt  }
0x74: {  	_ =	shalt  }
0x75: {  	_ =	shalt  }
0x76: {  	_ =	shalt  }
0x77: {  	_ =	shalt  }
0x78: {  	_ =	shalt  }
0x79: {  	_ =	shalt  }
0x7a: {  	_ =	shalt  }
0x7b: {  	_ =	shalt  }
0x7c: {  	_ =	shalt  }
0x7d: {  	_ =	shalt  }
0x7e: {  	_ =	shalt  }
0x7f: {  	_ =	shalt  }
0x80: {  	_ =	shalt  }
0x81: {  	_ =	shalt  }
0x82: {  	_ =	shalt  }
0x83: {  	_ =	shalt  }
0x84: {  	_ =	shalt  }
0x85: {  	_ =	shalt  }
0x86: {  	_ =	shalt  }
0x87: {  	_ =	shalt  }
.Lfunc_end0:
.L_simem_size_0:
called_computation_lowered:
.L_overlay_start_0:
0x88: {  	s2 =	sld [smem:$0x3FD9]  }
0x89: {  	s3 =	sld [smem:$0x3FFE];
	_ =	sdelay $0x1  }
0x8a: {  	s1 =	srdreg.scid  }
0x8b: {  	s0 =	sand.u32 $0x1, s1  }
0x8c: {  	s17 =	sshll.u32 s0, $0xA;
	s2 =	sadd.s32 s3, s2  }
0x8d: {  	s2 =	sadd.s32 s2, s17  }
0x8e: {  	[smem:$0x3FBD] =	sst s2  }
0x8f: {  	_ = 	snop  }
0x90: {  	s2 =	sld [smem:$0x3FC9]  }
0x91: {  	s18 =	sld [smem:$0x3FD0];
	(tm) =	ssettm $0x1  }
0x92: {  	s4 =	sld [smem:$0x3FFB];
	_ =	sdelay $0x3  }
0x93: {  	_ =	strace s4  }
0x94: {  	s4 =	sld [smem:$0x3FFC];
	_ =	sdelay $0x3  }
0x95: {  	_ =	strace s4  }
0x96: {  	s4 =	sld [smem:$0x3FFD];
	_ =	sdelay $0x3  }
0x97: {  	_ =	strace s4  }
0x98: {  	_ =	strace $0x8FFFFFFF  }
0x99: {  	s19 =	sld [smem:$0x3FDB];
	_ =	sdelay $0x1  }
0x9a: {  	s5 =	simm.s32 $_scs_section_size  }
0x9b: {  	s6 =	simm.s32 $_size__tile_overlayer_lowered;
	s7 =	simm.s32 $_tile_overlayer_lowered  }
0x9c: {  	s22 =	simm.s32 $0x1BFF;
	s21 =	sshll.u32 s7, $0x1;
	s4 =	sadd.s32 s5, s19  }
0x9d: {  	s8 =	simm.s32 $0x0;
	s20 =	sshll.u32 s6, $0x1;
	s6 =	sadd.s32 s21, s4  }
0x9e: {  	[timem:s8], [sflag:s22] =	dma.local [hbm:s6], s20  }
0x9f: {  	_ =	swait.ge [sflag:s22], s20  }
0xa0: {  	s5 =	ssub.s32 $0x0, s20;
	[sflag:s22] =	ssyncset.done $0x0  }
0xa1: {  	[sflag:s22] =	ssyncadd.s32 s5;
	_ =	sdelay $0x1  }
0xa2: {  	s23 =	simm.s32 $0x1B8B  }
0xa3: {  	_ =	swait.ge [sflag:s23], $0x1  }
0xa4: {  	[sflag:s23] =	ssyncset.done $0x0  }
0xa5: {  	s25 =	simm.s32 $0x1B8E;
	s24 =	sld [smem:$0x3FFE];
	[sflag:s23] =	ssyncadd.s32 $0xFFFFFFFF  }
0xa6: {  	s26 =	simm.s32 $execute0_lowered;
	[smem:$0x3FD2] =	sst s25  }
0xa7: {  	s6 =	sshll.u32 s26, $0x1;
	_ =	strace $0x80000046;
	[dreg:$0x1] =	wrdreg $0xFFFFFFFF  }
0xa8: {  	s28 =	simm.s32 $_size_execute0_lowered;
	s4 =	sadd.s32 s4, s6;
	[dreg:$0x0] =	wrdreg $0x0  }
0xa9: {  	s6 =	sshll.u32 s28, $0x1;
	[dreg:$0x2] =	wrdreg s4  }
0xaa: {  	[dreg:$0x3] =	wrdreg s6  }
0xab: {  	[dreg:$0x4] =	wrdreg $0xC0  }
0xac: {  	_ =	task [dreg:s8], $0x5FFFF  }
0xad: {  	[dreg:$0x1] =	wrdreg $0xFFFFFFFF  }
0xae: {  	[dreg:$0x0] =	wrdreg $0x60  }
0xaf: {  	[dreg:$0x2] =	wrdreg s2  }
0xb0: {  	[dreg:$0x3] =	wrdreg s24  }
0xb1: {  	[dreg:$0x4] =	wrdreg s18  }
0xb2: {  	[dreg:$0x5] =	wrdreg $0x90000  }
0xb3: {  	[dreg:$0x6] =	wrdreg $0x9  }
0xb4: {  	_ =	task.clear_ibuf [dreg:s8], $0x7FFFF;
	_ =	strace $0x90000046  }
0xb5: {  	s29 =	simm.s32 $0x9;
	_ =	strace $0x80000048  }
0xb6: {  	_ =	swait.ge [sflag:s29], $0x1  }
0xb7: {  	[sflag:s29] =	ssyncadd.s32 $0xFFFFFFFF  }
0xb8: {  	_ =	strace $0x90000048  }
0xb9: {  	_ =	sfence  }
0xba: {  	s30 =	sld [smem:$0x0];
	_ =	sdelay $0x2  }
0xbb: {  	s31 =	sshll.u32 s1, $0xD;
	s1 =	sshrl.u32 s1, $0x2  }
0xbc: {  	s3 =	sand.u32 $0x4000, s31;
	s1 =	sadd.s32 s1, s30  }
0xbd: {  	s0 =	sor.u32 s3, s0;
	s1 =	sshll.u32 s1, $0x11  }
0xbe: {  	s0 =	sor.u32 s1, s0  }
0xbf: {  	s0 =	sadd.s32 $0x8F2B, s0  }
0xc0: {  	[sflag:s0] =	ssyncadd.remote.s32 $0x1  }
0xc1: {  	_ =	sfence.sel $0xFFFF  }
0xc2: {  	[dreg:$0x0] =	wrdreg $0xFFFFFFFF;
	(pc) =	sbr.abs _section_cstart, $3  }
0xc3: {  	[dreg:$0x1] =	wrdreg $0xFFFFFFFF  }
0xc4: {  	_ =	task.clear_ibuf [dreg:s8], $0x2FFFF;
	_ =	strace $0x9FFFFFFF  }
0xc5: {  	(tm) =	ssettm $0x7FFFFFFF  }
tec
execute0_lowered:
.L_overlay_start_1:
0x0: {  	(tag) =	ssettag $0x1  }
0x1: {  	s1 =	rddreg [dreg:$0x0]  }
0x2: {  	s6 =	rddreg [dreg:$0x1]  }
0x3: {  	s11 =	rddreg [dreg:$0x2]  }
0x4: {  	s0 =	srdreg.scid;
	s3 =	rddreg [dreg:$0x3];
	s4 =	simm.s32 $0x0  }
0x5: {  	s15 =	simm.s32 $0x2;
	s16 =	simm.s32 $0x2800;
	s5 =	sand.u32 $0x1, s0  }
0x6: {  	s17 =	simm.s32 $0x80;
	s0 =	stileid.u32;
	s7 =	smul.u32 $0x140000, s5  }
0x7: {  	s18 =	simm.s32 $0x1;
	[smem:$0x7FF] =	sst s4;
	s8 =	smul.u32 $0x14000, s0  }
0x8: {  	s2 =	sshll.u32 s5, $0x4;
	s9 =	smul.u32 $0x50000, s0;
	s29 =	ssub.s32 $0x2, s5  }
0x9: {  	s19 =	sshll.u32 s0, $0x6;
	s2 =	sor.u32 s0, s2;
	s31 =	sshrl.u32 s29, $0x1  }
0xa: {  	s19 =	sor.u32 $0x1C02, s19;
	s12 =	smul.u32 $0x500, s2;
	s2 =	rddreg [dreg:$0x4]  }
0xb: {  	_ =	strace $0x80000047;
	s7 =	sadd.s32 s8, s7;
	s30 =	sshrl.u32 s9, $0x2  }
0xc: {  	s14 =	ssub.s32 s29, s31;
	s7 =	sshrl.u32 s7, $0x3;
	s5 =	sadd.s32 s30, s3  }
0xd: {  	s10 =	sadd.s32 s12, s6;
	s13 =	sadd.s32 s7, s6;
	s6 =	sadd.s32 $0x4000, s5  }
0xe: {  	s7 =	sadd.s32 $0x8000, s5;
	s8 =	sadd.s32 $0xC000, s5;
	s9 =	sadd.s32 $0x10000, s5  }
0xf: {  	s11 =	sadd.s32 s11, s12;
	s20 =	sshrl.u32 s5, $0x3;
	s10 =	sadd.s32 $0x1800, s10  }
0x10: {  	v0 =	vimm.f32 $0.0e+00;
	s12 =	sadd.s32 $0xB800, s13;
	s13 =	smax.u32 s14, $0x1;
	s14 =	simm.s32 $0x5000  }
.LBB2_1:
0x11: {  	s21 =	simm.s32 $0x0;
	s22 =	simm.s32 $0x200  }
.LBB2_2:
0x12: {  	p0 =	sne.s32 s22, $0xFE00;
	[tilespmem:s21+$0x5070] =	vst v0  }
0x13: {  	[tilespmem:s21+$0x5000] =	vst v0  }
0x14: {  	[tilespmem:s21+$0x5010] =	vst v0  }
.Ltmp0:
0x15: {  	[tilespmem:s21+$0x5020] =	vst v0;
	(pc) =	sbr.rel @p0 .LBB2_2-.Ltmp0, $4  }
0x16: {  	[tilespmem:s21+$0x5030] =	vst v0  }
0x17: {  	[tilespmem:s21+$0x5040] =	vst v0  }
0x18: {  	[tilespmem:s21+$0x5050] =	vst v0  }
0x19: {  	[tilespmem:s21+$0x5060] =	vst v0;
	s21 =	sshra.s32 s22, $0x2;
	s22 =	sadd.s32 $0x200, s22  }
0x1a: {  	[tilespmem:s21+$0x5070] =	vst v0  }
0x1b: {  	[tilespmem:s21+$0x5000] =	vst v0  }
0x1c: {  	[tilespmem:s21+$0x5010] =	vst v0  }
0x1d: {  	[tilespmem:s21+$0x5020] =	vst v0  }
0x1e: {  	[tilespmem:s21+$0x5030] =	vst v0  }
0x1f: {  	[tilespmem:s21+$0x5040] =	vst v0  }
0x20: {  	[tilespmem:s21+$0x5050] =	vst v0  }
0x21: {  	[tilespmem:s21+$0x5060] =	vst v0  }
0x22: {  	[spmem:s5] =	stream.linear.scatter [tilespmem:s14], [sflag:$0x2], $0x4000, $0x38;
	[tilespmem:$0x1D000] =	vst v63  }
0x23: {  	_ =	swait.ge [sflag:s15], $0x4000  }
0x24: {  	[sflag:s15] =	ssyncset.done $0x0  }
0x25: {  	[sflag:s15] =	ssyncadd.s32 $0xFFFFC000  }
0x26: {  	[spmem:s6] =	stream.linear.scatter [tilespmem:s14], [sflag:$0x2], $0x4000, $0x38;
	[tilespmem:$0x1D000] =	vst v63  }
0x27: {  	_ =	swait.ge [sflag:s15], $0x4000  }
0x28: {  	[sflag:s15] =	ssyncset.done $0x0  }
0x29: {  	[sflag:s15] =	ssyncadd.s32 $0xFFFFC000  }
0x2a: {  	[spmem:s7] =	stream.linear.scatter [tilespmem:s14], [sflag:$0x2], $0x4000, $0x38;
	[tilespmem:$0x1D000] =	vst v63  }
0x2b: {  	_ =	swait.ge [sflag:s15], $0x4000  }
0x2c: {  	[sflag:s15] =	ssyncset.done $0x0  }
0x2d: {  	[sflag:s15] =	ssyncadd.s32 $0xFFFFC000  }
0x2e: {  	[spmem:s8] =	stream.linear.scatter [tilespmem:s14], [sflag:$0x2], $0x4000, $0x38;
	[tilespmem:$0x1D000] =	vst v63  }
0x2f: {  	_ =	swait.ge [sflag:s15], $0x4000  }
0x30: {  	[sflag:s15] =	ssyncset.done $0x0  }
0x31: {  	[sflag:s15] =	ssyncadd.s32 $0xFFFFC000  }
0x32: {  	[spmem:s9] =	stream.linear.scatter [tilespmem:s14], [sflag:$0x2], $0x4000, $0x38;
	[tilespmem:$0x1D000] =	vst v63  }
0x33: {  	_ =	swait.ge [sflag:s15], $0x4000  }
0x34: {  	[sflag:s15] =	ssyncset.done $0x0  }
0x35: {  	[sflag:s15] =	ssyncadd.s32 $0xFFFFC000  }
0x36: {  	s29 =	simm.s32 $0x0;
	[bflag:$0x0] =	sbarrier.arrive $0xFFFF  }
0x37: {  	[tilespmem:s29], [sflag:$0x2] =	stream.linear.gather [hbm4b:s10+s29], $0x2800, $0x38;
	[tilespmem:$0x1D000] =	vst v63  }
0x38: {  	_ =	swait.ge [sflag:s15], $0x2800  }
0x39: {  	[sflag:s15] =	ssyncset.done $0x0  }
0x3a: {  	[sflag:s15] =	ssyncadd.s32 $0xFFFFD800  }
0x3b: {  	[tilespmem:s16], [sflag:$0x2] =	stream.linear.gather [hbm4b:s11+s29], $0x2800, $0x38;
	[tilespmem:$0x1D000] =	vst v63  }
0x3c: {  	_ =	swait.ge [sflag:s15], $0x2800  }
0x3d: {  	[sflag:s15] =	ssyncset.done $0x0  }
0x3e: {  	s30 =	simm.s32 $0x0;
	[sflag:s15] =	ssyncadd.s32 $0xFFFFD800  }
0x3f: {  	[tilespmem:s14], [sflag:$0x1] =	stream.indirect.gather [hbm4b:s1+s17], $0x80, s30, s17, $0xb8;
	[tilespmem:$0x1D000] =	vst v63  }
0x40: {  	_ =	swait.ge [sflag:s18], $0x4000  }
0x41: {  	[sflag:s18] =	ssyncset.done $0x0  }
0x42: {  	s31 =	simm.s32 $0x2800;
	[sflag:s18] =	ssyncadd.s32 $0xFFFFC000  }
0x43: {  	[spmem:s3] =	stream.indirect.scatter.add.f32 [tilespmem:s14], [sflag:$0x2], $0x80, s31, s17, $0xb8;
	[tilespmem:$0x1D000] =	vst v63  }
0x44: {  	_ =	swait.ge [sflag:s15], $0x4000  }
0x45: {  	s21 =	simm.s32 $0x200;
	s22 =	simm.s32 $0x400;
	[sflag:s15] =	ssyncset.done $0x0  }
.LBB2_4:
0x46: {  	s23 =	sshra.s32 s21, $0x2  }
0x47: {  	[sflag:s15] =	ssyncadd.s32 $0xFFFFC000;
	s21 =	smov.u32 s22;
	s24 =	sadd.s32 $0x200, s22  }
0x48: {  	[tilespmem:s14], [sflag:$0x1] =	stream.indirect.gather [hbm4b:s1+s17], $0x80, s23, s17, $0xb8;
	[tilespmem:$0x1D000] =	vst v63  }
0x49: {  	p0 =	sne.s32 s22, $0x9E00;
	_ =	swait.ge [sflag:s18], $0x4000  }
.Ltmp1:
0x4a: {  	[sflag:s18] =	ssyncset.done $0x0;
	(pc) =	sbr.rel @p0 .LBB2_4-.Ltmp1, $4  }
0x4b: {  	s22 =	sadd.s32 $0x2800, s23;
	[sflag:s18] =	ssyncadd.s32 $0xFFFFC000  }
0x4c: {  	[spmem:s3] =	stream.indirect.scatter.add.f32 [tilespmem:s14], [sflag:$0x2], $0x80, s22, s17, $0xb8;
	[tilespmem:$0x1D000] =	vst v63  }
0x4d: {  	_ =	swait.ge [sflag:s15], $0x4000  }
0x4e: {  	s22 =	smov.u32 s24;
	[sflag:s15] =	ssyncset.done $0x0  }
0x4f: {  	s21 =	sshra.s32 s21, $0x2;
	[sflag:s15] =	ssyncadd.s32 $0xFFFFC000  }
0x50: {  	[tilespmem:s14], [sflag:$0x1] =	stream.indirect.gather [hbm4b:s1+s17], $0x80, s21, s17, $0xb8;
	[tilespmem:$0x1D000] =	vst v63  }
0x51: {  	_ =	swait.ge [sflag:s18], $0x4000  }
0x52: {  	[sflag:s18] =	ssyncset.done $0x0  }
0x53: {  	s21 =	sadd.s32 $0x2800, s21;
	[sflag:s18] =	ssyncadd.s32 $0xFFFFC000  }
0x54: {  	[spmem:s3] =	stream.indirect.scatter.add.f32 [tilespmem:s14], [sflag:$0x2], $0x80, s21, s17, $0xb8;
	[tilespmem:$0x1D000] =	vst v63  }
0x55: {  	_ =	swait.ge [sflag:s15], $0x4000  }
0x56: {  	s4 =	sadd.s32 $0x1, s4;
	[sflag:s15] =	ssyncset.done $0x0  }
0x57: {  	p0 =	sne.s32 s4, s13;
	[sflag:s15] =	ssyncadd.s32 $0xFFFFC000  }
.Ltmp2:
0x58: {  	[bflag:$0x0] =	sbarrier.arrive $0xFFFF;
	(pc) =	sbr.rel @p0 .LBB2_1-.Ltmp2, $4  }
0x59: {  	[hbm:s12], [sflag:s19] =	dma.local [spmem:s20], $0x2800  }
0x5a: {  	_ =	swait.ge [sflag:s15], $0x2800  }
0x5b: {  	[sflag:s15] =	ssyncset.done $0x0  }
0x5c: {  	[sflag:s15] =	ssyncadd.s32 $0xFFFFD800  }
0x5d: {  	_ =	sfence.sel $0x180000  }
0x5e: {  	[bflag:$0x0] =	sbarrier.arrive $0xFFFF  }
0x5f: {  	p0 =	sne.s32 s0, $0x0;
	_ =	strace $0x90000047  }
0x60: {  	s0 =	sadd.s32 @!p0 $0x100000, s2;
	[bflag:$0x2] =	sbarrier.arrive $0xFFFF  }
0x61: {  	[sflag:s0] =	ssyncadd.tile.s32 @!p0 $0x1;
	_ =	shalt  }
.Lfunc_end2:
_tile_overlayer_lowered:
.L_overlay_start_2:
0x62: {  	(tag) =	ssettag $0x2  }
0x63: {  	s0 =	rddreg [dreg:$0x0];
	s2 =	stileid.u32  }
0x64: {  	s1 =	rddreg [dreg:$0x1];
	p0 =	sne.s32 s2, $0x0  }
0x65: {  	s3 =	rddreg [dreg:$0x2];
	[bflag:$0x3] =	sbarrier.arrive $0xFFFF;
	s2 =	simm.s32 @!p0 $0x1C02  }
0x66: {  	[timem:s3], [sflag:s2] =	dma.local @!p0 [hbm:s0], s1  }
0x67: {  	s0 =	simm.s32 @!p0 $0x2  }
0x68: {  	_ =	swait.ge @!p0 [sflag:s0], s1  }
0x69: {  	s1 =	ssub.s32 @!p0 $0x0, s1;
	[sflag:s0] =	ssyncset.done @!p0 $0x0  }
0x6a: {  	[sflag:s0] =	ssyncadd.s32 @!p0 s1  }
0x6b: {  	[bflag:$0x3] =	sbarrier.arrive $0xFFFF  }
0x6c: {  	_ =	shalt  }

</sc_bundles>
